<compile_context>
chip_gen: v7x
topology: tpu7x:2x2x1
jax: 0.10.2.dev20260603
libtpu: 0.0.44.dev20260713+nightly
codegen_flags: <defaults>
</compile_context>

<pallas_src>
import functools

import jax
import jax.numpy as jnp
from jax import lax
from jax.experimental import pallas as pl
from jax.experimental.pallas import tpu as pltpu
from jax.experimental.pallas import tpu_sc as plsc

HIDDEN_DIM = 768
NUM_EXPERTS = 8
TOP_K = 2
N_TOKENS = 32768

BLOCK = 4096
N_STEPS = N_TOKENS // BLOCK

N_SPLIT = 4
SUB = BLOCK // N_SPLIT

SC_ROWS = 4096
NW = 32
ROWS_PER_W = SC_ROWS // NW


def _sc_copy_kernel(x_hbm, out_hbm, buf, sem):
    wid = lax.axis_index("c") * 16 + lax.axis_index("s")
    base = wid * ROWS_PER_W
    cp = pltpu.make_async_copy(
        x_hbm.at[pl.ds(base, ROWS_PER_W)], buf, sem)
    cp.start()
    cp.wait()
    cp2 = pltpu.make_async_copy(
        buf, out_hbm.at[pl.ds(base, ROWS_PER_W)], sem)
    cp2.start()
    cp2.wait()


def _sc_copy(x):
    mesh = plsc.VectorSubcoreMesh(core_axis_name="c", subcore_axis_name="s")
    return pl.kernel(
        _sc_copy_kernel,
        mesh=mesh,
        out_type=jax.ShapeDtypeStruct((SC_ROWS, HIDDEN_DIM), jnp.float32),
        scratch_types=[
            pltpu.VMEM((ROWS_PER_W, HIDDEN_DIM), jnp.float32),
            pltpu.SemaphoreType.DMA,
        ],
    )(x[:SC_ROWS])


def _start_block_copy(x_hbm, xbuf, xsem, step, slot):
    for q in range(N_SPLIT):
        pltpu.make_async_copy(
            x_hbm.at[pl.ds(step * BLOCK + q * SUB, SUB)],
            xbuf.at[slot, pl.ds(q * SUB, SUB)],
            xsem.at[slot, q]).start()


def _wait_block_copy(x_hbm, xbuf, xsem, step, slot):
    for q in range(N_SPLIT):
        pltpu.make_async_copy(
            x_hbm.at[pl.ds(step * BLOCK + q * SUB, SUB)],
            xbuf.at[slot, pl.ds(q * SUB, SUB)],
            xsem.at[slot, q]).wait()


def _router_kernel(x_hbm, hp_hbm, idxt_ref, xbuf, hpbuf, xsem, hpsem):
    i = pl.program_id(0)

    @pl.when(i == 0)
    def _():
        _start_block_copy(x_hbm, xbuf, xsem, 0, 0)
        hp_cp = pltpu.make_async_copy(hp_hbm, hpbuf, hpsem)
        hp_cp.start()
        hp_cp.wait()

    @pl.when(i + 1 < N_STEPS)
    def _():
        _start_block_copy(x_hbm, xbuf, xsem, i + 1, (i + 1) % 2)

    _wait_block_copy(x_hbm, xbuf, xsem, i, i % 2)

    x = xbuf[i % 2]
    hp = hpbuf[...]
    scores = jnp.abs(
        jax.lax.dot_general(
            hp, x, (((1,), (1,)), ((), ())),
            preferred_element_type=jnp.float32,
        )
    )
    iota = jax.lax.broadcasted_iota(jnp.int32, scores.shape, 0)
    m1 = jnp.max(scores, axis=0, keepdims=True)
    i1 = jnp.min(jnp.where(scores == m1, iota, NUM_EXPERTS),
                 axis=0, keepdims=True)
    masked = jnp.where(iota == i1, -1.0, scores)
    m2 = jnp.max(masked, axis=0, keepdims=True)
    i2 = jnp.min(jnp.where(masked == m2, iota, NUM_EXPERTS),
                 axis=0, keepdims=True)
    idxt_ref[...] = jnp.concatenate([i1, i2], axis=0)


def kernel(x, hash_planes):
    n = x.shape[0]
    dummy = _sc_copy(x)
    idxt = pl.pallas_call(
        _router_kernel,
        grid=(N_STEPS,),
        in_specs=[
            pl.BlockSpec(memory_space=pltpu.MemorySpace.HBM),
            pl.BlockSpec(memory_space=pltpu.MemorySpace.HBM),
        ],
        out_specs=pl.BlockSpec((TOP_K, BLOCK), lambda i: (0, i)),
        out_shape=jax.ShapeDtypeStruct((TOP_K, n), jnp.int32),
        scratch_shapes=[
            pltpu.VMEM((2, BLOCK, HIDDEN_DIM), jnp.float32),
            pltpu.VMEM((NUM_EXPERTS, HIDDEN_DIM), jnp.float32),
            pltpu.SemaphoreType.DMA((2, N_SPLIT)),
            pltpu.SemaphoreType.DMA,
        ],
        compiler_params=pltpu.CompilerParams(
            dimension_semantics=("arbitrary",),
        ),
    )(x, hash_planes)
    topk_indices = idxt.T
    topk_probs = jnp.full((n, TOP_K), 1.0 / TOP_K, jnp.float32) + 0.0 * dummy[0, 0]
    probs_uniform = jnp.full((n, NUM_EXPERTS), 1.0 / NUM_EXPERTS, jnp.float32)
    return (topk_indices, topk_probs, probs_uniform)

# --- scband reference (transcript-rebuilt; emitter-appended) ---
"""Pipeline reference for scband-random-hash-router-28750511079536 (READ-ONLY COPY).

The authoritative reference and input builder live on the scoring server;
editing this copy changes nothing except your own understanding.
"""

import jax, jax.numpy as jnp
import numpy as np

HIDDEN_DIM = 768
NUM_EXPERTS = 8
TOP_K = 2
N_TOKENS = 32768


def setup_inputs(seed: int = 0) -> dict:
    key = jax.random.key(seed)
    k1, k2 = jax.random.split(key)
    x = jax.random.normal(k1, (N_TOKENS, HIDDEN_DIM), dtype=jnp.float32)
    hash_planes = jax.random.normal(k2, (NUM_EXPERTS, HIDDEN_DIM), dtype=jnp.float32) / np.sqrt(HIDDEN_DIM)
    return {"x": x, "hash_planes": hash_planes}


def reference(x, hash_planes):
    scores = x @ hash_planes.T
    scores = jnp.abs(scores)
    probs_uniform = jnp.ones_like(scores) / NUM_EXPERTS
    topk_scores, topk_indices = jax.lax.top_k(scores, TOP_K)
    topk_probs = jnp.ones_like(topk_scores) / TOP_K
    return (topk_indices, topk_probs, probs_uniform)

if __name__ == "__main__":
    import jax
    _d = setup_inputs()
    print(jax.jit(kernel)(*tuple(_d.values())))

</pallas_src>

<mosaic_0001>
#map = affine_map<(d0, d1) -> (0, 0)>
module attributes {stable_mosaic.version = 14 : i64} {
  func.func @_sc_copy_kernel(%arg0: i32, %arg1: i32, %arg2: memref<4096x768xf32, #tpu.memory_space<hbm>>, %arg3: memref<4096x768xf32, #tpu.memory_space<hbm>>, %arg4: memref<128x768xf32, #tpu.memory_space<vmem>>, %arg5: memref<!tpu.dma_semaphore, #tpu.memory_space<semaphore_mem>>) attributes {dimension_semantics = [#tpu.dimension_semantics<core_parallel>, #tpu.dimension_semantics<subcore_parallel>], iteration_bounds = array<i64: 2, 16>, scalar_prefetch = 0 : i64, scratch_operands = 2 : i64, tpu.core_type = #tpu.core_type<sc_vector_subcore>, window_params = [{transform_indices = #map}, {transform_indices = #map}]} {
    %mul3A = arith.constant 16 : i32
    %mul3A_0 = arith.muli %arg0, %mul3A : i32
    %add3A = arith.addi %mul3A_0, %arg1 : i32
    %mul3A_1 = arith.constant 128 : i32
    %mul3A_2 = arith.muli %add3A, %mul3A_1 : i32
    %dma_start3A = arith.constant 0 : i32
    %dma_start3A_3 = tpu.memref_slice %arg2[%mul3A_2, %dma_start3A] : memref<4096x768xf32, #tpu.memory_space<hbm>> -> memref<128x768xf32, #tpu.memory_space<hbm>>
    %dma_start3A_4 = arith.constant 0 : i32
    %dma_start3A_5 = tpu.memref_slice %arg2[%mul3A_2, %dma_start3A_4] : memref<4096x768xf32, #tpu.memory_space<hbm>> -> memref<128x768xf32, #tpu.memory_space<hbm>>
    tpu.enqueue_dma source(%dma_start3A_5 : memref<128x768xf32, #tpu.memory_space<hbm>>) target(%arg4 : memref<128x768xf32, #tpu.memory_space<vmem>>) target_semaphore(%arg5 : memref<!tpu.dma_semaphore, #tpu.memory_space<semaphore_mem>>)
    %dma_wait3A = arith.constant 0 : i32
    %dma_wait3A_6 = tpu.memref_slice %arg2[%mul3A_2, %dma_wait3A] : memref<4096x768xf32, #tpu.memory_space<hbm>> -> memref<128x768xf32, #tpu.memory_space<hbm>>
    %dma_wait3A_7 = arith.constant 0 : i32
    %dma_wait3A_8 = tpu.memref_slice %arg2[%mul3A_2, %dma_wait3A_7] : memref<4096x768xf32, #tpu.memory_space<hbm>> -> memref<128x768xf32, #tpu.memory_space<hbm>>
    tpu.wait_dma2 semaphore(%arg5 : memref<!tpu.dma_semaphore, #tpu.memory_space<semaphore_mem>>) src(%dma_wait3A_8 : memref<128x768xf32, #tpu.memory_space<hbm>>) dst(%arg4 : memref<128x768xf32, #tpu.memory_space<vmem>>)
    %dma_start3A_9 = arith.constant 0 : i32
    %dma_start3A_10 = tpu.memref_slice %arg3[%mul3A_2, %dma_start3A_9] : memref<4096x768xf32, #tpu.memory_space<hbm>> -> memref<128x768xf32, #tpu.memory_space<hbm>>
    %dma_start3A_11 = arith.constant 0 : i32
    %dma_start3A_12 = tpu.memref_slice %arg3[%mul3A_2, %dma_start3A_11] : memref<4096x768xf32, #tpu.memory_space<hbm>> -> memref<128x768xf32, #tpu.memory_space<hbm>>
    tpu.enqueue_dma source(%arg4 : memref<128x768xf32, #tpu.memory_space<vmem>>) target(%dma_start3A_12 : memref<128x768xf32, #tpu.memory_space<hbm>>) target_semaphore(%arg5 : memref<!tpu.dma_semaphore, #tpu.memory_space<semaphore_mem>>)
    %dma_wait3A_13 = arith.constant 0 : i32
    %dma_wait3A_14 = tpu.memref_slice %arg3[%mul3A_2, %dma_wait3A_13] : memref<4096x768xf32, #tpu.memory_space<hbm>> -> memref<128x768xf32, #tpu.memory_space<hbm>>
    %dma_wait3A_15 = arith.constant 0 : i32
    %dma_wait3A_16 = tpu.memref_slice %arg3[%mul3A_2, %dma_wait3A_15] : memref<4096x768xf32, #tpu.memory_space<hbm>> -> memref<128x768xf32, #tpu.memory_space<hbm>>
    tpu.wait_dma2 semaphore(%arg5 : memref<!tpu.dma_semaphore, #tpu.memory_space<semaphore_mem>>) src(%arg4 : memref<128x768xf32, #tpu.memory_space<vmem>>) dst(%dma_wait3A_16 : memref<128x768xf32, #tpu.memory_space<hbm>>)
    return
  }
}

module attributes {stable_mosaic.version = 14 : i64} {
  func.func @_router_kernel(%arg0: i32, %arg1: memref<32768x768xf32, #tpu.memory_space<hbm>>, %arg2: memref<8x768xf32, #tpu.memory_space<hbm>>, %arg3: memref<2x4096xi32, #tpu.memory_space<vmem>>, %arg4: memref<2x4096x768xf32, #tpu.memory_space<vmem>>, %arg5: memref<8x768xf32, #tpu.memory_space<vmem>>, %arg6: memref<2x4x!tpu.dma_semaphore, #tpu.memory_space<semaphore_mem>>, %arg7: memref<!tpu.dma_semaphore, #tpu.memory_space<semaphore_mem>>) attributes {dimension_semantics = [#tpu.dimension_semantics<arbitrary>], iteration_bounds = array<i64: 8>, scalar_prefetch = 0 : i64, scratch_operands = 4 : i64, tpu.core_type = #tpu.core_type<tc>, window_params = [{}, {}, {transform_indices = @transform_2, window_bounds = array<i64: 2, 4096>}]} {
    %eq3A = arith.constant 0 : i32
    %eq3A_0 = arith.cmpi eq, %arg0, %eq3A : i32
    %convert_element_type3A = arith.extui %eq3A_0 : i1 to i32
    %cond3A = arith.constant 0 : i32
    %cond3A_1 = arith.cmpi ne, %convert_element_type3A, %cond3A : i32
    scf.if %cond3A_1 {
      %dma_start3A = arith.constant 0 : i32
      %dma_start3A_118 = arith.constant 0 : i32
      %dma_start3A_119 = arith.constant 0 : i32
      %dma_start3A_120 = tpu.memref_slice %arg6[%dma_start3A_118, %dma_start3A_119] : memref<2x4x!tpu.dma_semaphore, #tpu.memory_space<semaphore_mem>> -> memref<1x1x!tpu.dma_semaphore, #tpu.memory_space<semaphore_mem>>
      %dma_start3A_121 = tpu.memref_squeeze %dma_start3A_120 : memref<1x1x!tpu.dma_semaphore, #tpu.memory_space<semaphore_mem>> -> memref<!tpu.dma_semaphore, #tpu.memory_space<semaphore_mem>>
      %dma_start3A_122 = arith.constant 0 : i32
      %dma_start3A_123 = arith.constant 0 : i32
      %dma_start3A_124 = tpu.memref_slice %arg4[%dma_start3A, %dma_start3A_122, %dma_start3A_123] : memref<2x4096x768xf32, #tpu.memory_space<vmem>> -> memref<1x1024x768xf32, #tpu.memory_space<vmem>>
      %dma_start3A_125 = tpu.memref_squeeze %dma_start3A_124 : memref<1x1024x768xf32, #tpu.memory_space<vmem>> -> memref<1024x768xf32, #tpu.memory_space<vmem>>
      %dma_start3A_126 = arith.constant 0 : i32
      %dma_start3A_127 = arith.constant 0 : i32
      %dma_start3A_128 = tpu.memref_slice %arg1[%dma_start3A_126, %dma_start3A_127] : memref<32768x768xf32, #tpu.memory_space<hbm>> -> memref<1024x768xf32, #tpu.memory_space<hbm>>
      tpu.enqueue_dma source(%dma_start3A_128 : memref<1024x768xf32, #tpu.memory_space<hbm>>) target(%dma_start3A_125 : memref<1024x768xf32, #tpu.memory_space<vmem>>) target_semaphore(%dma_start3A_121 : memref<!tpu.dma_semaphore, #tpu.memory_space<semaphore_mem>>)
      %dma_start3A_129 = arith.constant 0 : i32
      %dma_start3A_130 = arith.constant 0 : i32
      %dma_start3A_131 = arith.constant 1 : i32
      %dma_start3A_132 = tpu.memref_slice %arg6[%dma_start3A_130, %dma_start3A_131] : memref<2x4x!tpu.dma_semaphore, #tpu.memory_space<semaphore_mem>> -> memref<1x1x!tpu.dma_semaphore, #tpu.memory_space<semaphore_mem>>
      %dma_start3A_133 = tpu.memref_squeeze %dma_start3A_132 : memref<1x1x!tpu.dma_semaphore, #tpu.memory_space<semaphore_mem>> -> memref<!tpu.dma_semaphore, #tpu.memory_space<semaphore_mem>>
      %dma_start3A_134 = arith.constant 1024 : i32
      %dma_start3A_135 = arith.constant 0 : i32
      %dma_start3A_136 = tpu.memref_slice %arg4[%dma_start3A_129, %dma_start3A_134, %dma_start3A_135] : memref<2x4096x768xf32, #tpu.memory_space<vmem>> -> memref<1x1024x768xf32, #tpu.memory_space<vmem>>
      %dma_start3A_137 = tpu.memref_squeeze %dma_start3A_136 : memref<1x1024x768xf32, #tpu.memory_space<vmem>> -> memref<1024x768xf32, #tpu.memory_space<vmem>>
      %dma_start3A_138 = arith.constant 1024 : i32
      %dma_start3A_139 = arith.constant 0 : i32
      %dma_start3A_140 = tpu.memref_slice %arg1[%dma_start3A_138, %dma_start3A_139] : memref<32768x768xf32, #tpu.memory_space<hbm>> -> memref<1024x768xf32, #tpu.memory_space<hbm>>
      tpu.enqueue_dma source(%dma_start3A_140 : memref<1024x768xf32, #tpu.memory_space<hbm>>) target(%dma_start3A_137 : memref<1024x768xf32, #tpu.memory_space<vmem>>) target_semaphore(%dma_start3A_133 : memref<!tpu.dma_semaphore, #tpu.memory_space<semaphore_mem>>)
      %dma_start3A_141 = arith.constant 0 : i32
      %dma_start3A_142 = arith.constant 0 : i32
      %dma_start3A_143 = arith.constant 2 : i32
      %dma_start3A_144 = tpu.memref_slice %arg6[%dma_start3A_142, %dma_start3A_143] : memref<2x4x!tpu.dma_semaphore, #tpu.memory_space<semaphore_mem>> -> memref<1x1x!tpu.dma_semaphore, #tpu.memory_space<semaphore_mem>>
      %dma_start3A_145 = tpu.memref_squeeze %dma_start3A_144 : memref<1x1x!tpu.dma_semaphore, #tpu.memory_space<semaphore_mem>> -> memref<!tpu.dma_semaphore, #tpu.memory_space<semaphore_mem>>
      %dma_start3A_146 = arith.constant 2048 : i32
      %dma_start3A_147 = arith.constant 0 : i32
      %dma_start3A_148 = tpu.memref_slice %arg4[%dma_start3A_141, %dma_start3A_146, %dma_start3A_147] : memref<2x4096x768xf32, #tpu.memory_space<vmem>> -> memref<1x1024x768xf32, #tpu.memory_space<vmem>>
      %dma_start3A_149 = tpu.memref_squeeze %dma_start3A_148 : memref<1x1024x768xf32, #tpu.memory_space<vmem>> -> memref<1024x768xf32, #tpu.memory_space<vmem>>
      %dma_start3A_150 = arith.constant 2048 : i32
      %dma_start3A_151 = arith.constant 0 : i32
      %dma_start3A_152 = tpu.memref_slice %arg1[%dma_start3A_150, %dma_start3A_151] : memref<32768x768xf32, #tpu.memory_space<hbm>> -> memref<1024x768xf32, #tpu.memory_space<hbm>>
      tpu.enqueue_dma source(%dma_start3A_152 : memref<1024x768xf32, #tpu.memory_space<hbm>>) target(%dma_start3A_149 : memref<1024x768xf32, #tpu.memory_space<vmem>>) target_semaphore(%dma_start3A_145 : memref<!tpu.dma_semaphore, #tpu.memory_space<semaphore_mem>>)
      %dma_start3A_153 = arith.constant 0 : i32
      %dma_start3A_154 = arith.constant 0 : i32
      %dma_start3A_155 = arith.constant 3 : i32
      %dma_start3A_156 = tpu.memref_slice %arg6[%dma_start3A_154, %dma_start3A_155] : memref<2x4x!tpu.dma_semaphore, #tpu.memory_space<semaphore_mem>> -> memref<1x1x!tpu.dma_semaphore, #tpu.memory_space<semaphore_mem>>
      %dma_start3A_157 = tpu.memref_squeeze %dma_start3A_156 : memref<1x1x!tpu.dma_semaphore, #tpu.memory_space<semaphore_mem>> -> memref<!tpu.dma_semaphore, #tpu.memory_space<semaphore_mem>>
      %dma_start3A_158 = arith.constant 3072 : i32
      %dma_start3A_159 = arith.constant 0 : i32
      %dma_start3A_160 = tpu.memref_slice %arg4[%dma_start3A_153, %dma_start3A_158, %dma_start3A_159] : memref<2x4096x768xf32, #tpu.memory_space<vmem>> -> memref<1x1024x768xf32, #tpu.memory_space<vmem>>
      %dma_start3A_161 = tpu.memref_squeeze %dma_start3A_160 : memref<1x1024x768xf32, #tpu.memory_space<vmem>> -> memref<1024x768xf32, #tpu.memory_space<vmem>>
      %dma_start3A_162 = arith.constant 3072 : i32
      %dma_start3A_163 = arith.constant 0 : i32
      %dma_start3A_164 = tpu.memref_slice %arg1[%dma_start3A_162, %dma_start3A_163] : memref<32768x768xf32, #tpu.memory_space<hbm>> -> memref<1024x768xf32, #tpu.memory_space<hbm>>
      tpu.enqueue_dma source(%dma_start3A_164 : memref<1024x768xf32, #tpu.memory_space<hbm>>) target(%dma_start3A_161 : memref<1024x768xf32, #tpu.memory_space<vmem>>) target_semaphore(%dma_start3A_157 : memref<!tpu.dma_semaphore, #tpu.memory_space<semaphore_mem>>)
      tpu.enqueue_dma source(%arg2 : memref<8x768xf32, #tpu.memory_space<hbm>>) target(%arg5 : memref<8x768xf32, #tpu.memory_space<vmem>>) target_semaphore(%arg7 : memref<!tpu.dma_semaphore, #tpu.memory_space<semaphore_mem>>)
      tpu.wait_dma2 semaphore(%arg7 : memref<!tpu.dma_semaphore, #tpu.memory_space<semaphore_mem>>) src(%arg2 : memref<8x768xf32, #tpu.memory_space<hbm>>) dst(%arg5 : memref<8x768xf32, #tpu.memory_space<vmem>>)
    } else {
    }
    %add3A = arith.constant 1 : i32
    %add3A_2 = arith.addi %arg0, %add3A : i32
    %lt3A = arith.constant 8 : i32
    %lt3A_3 = arith.cmpi slt, %add3A_2, %lt3A : i32
    %convert_element_type3A_4 = arith.extui %lt3A_3 : i1 to i32
    %cond3A_5 = arith.constant 0 : i32
    %cond3A_6 = arith.cmpi ne, %convert_element_type3A_4, %cond3A_5 : i32
    scf.if %cond3A_6 {
      %add3A_118 = arith.constant 1 : i32
      %add3A_119 = arith.addi %arg0, %add3A_118 : i32
      %add3A_120 = arith.constant 1 : i32
      %add3A_121 = arith.addi %arg0, %add3A_120 : i32
      %jit3A_122 = arith.constant 2 : i32
      %eq3A_123 = arith.constant 0 : i32
      %eq3A_124 = arith.cmpi eq, %jit3A_122, %eq3A_123 : i32
      %jit3A_125 = arith.constant 1 : i32
      %select_n3A_126 = arith.select %eq3A_124, %jit3A_125, %jit3A_122 : i32
      %rem3A_127 = arith.remsi %add3A_121, %select_n3A_126 : i32
      %ne3A_128 = arith.constant 0 : i32
      %ne3A_129 = arith.cmpi ne, %rem3A_127, %ne3A_128 : i32
      %lt3A_130 = arith.constant 0 : i32
      %lt3A_131 = arith.cmpi slt, %rem3A_127, %lt3A_130 : i32
      %lt3A_132 = arith.constant 0 : i32
      %lt3A_133 = arith.cmpi slt, %select_n3A_126, %lt3A_132 : i32
      %ne3A_134 = arith.xori %lt3A_131, %lt3A_133 : i1
      %and3A_135 = arith.andi %ne3A_134, %ne3A_129 : i1
      %add3A_136 = arith.addi %rem3A_127, %select_n3A_126 : i32
      %select_n3A_137 = arith.select %and3A_135, %add3A_136, %rem3A_127 : i32
      %mul3A_138 = arith.constant 4096 : i32
      %mul3A_139 = arith.muli %add3A_119, %mul3A_138 : i32
      %add3A_140 = arith.constant 0 : i32
      %add3A_141 = arith.addi %mul3A_139, %add3A_140 : i32
      %dma_start3A = arith.constant 0 : i32
      %dma_start3A_142 = tpu.memref_slice %arg6[%select_n3A_137, %dma_start3A] : memref<2x4x!tpu.dma_semaphore, #tpu.memory_space<semaphore_mem>> -> memref<1x1x!tpu.dma_semaphore, #tpu.memory_space<semaphore_mem>>
      %dma_start3A_143 = tpu.memref_squeeze %dma_start3A_142 : memref<1x1x!tpu.dma_semaphore, #tpu.memory_space<semaphore_mem>> -> memref<!tpu.dma_semaphore, #tpu.memory_space<semaphore_mem>>
      %dma_start3A_144 = arith.constant 0 : i32
      %dma_start3A_145 = arith.constant 0 : i32
      %dma_start3A_146 = tpu.memref_slice %arg4[%select_n3A_137, %dma_start3A_144, %dma_start3A_145] : memref<2x4096x768xf32, #tpu.memory_space<vmem>> -> memref<1x1024x768xf32, #tpu.memory_space<vmem>>
      %dma_start3A_147 = tpu.memref_squeeze %dma_start3A_146 : memref<1x1024x768xf32, #tpu.memory_space<vmem>> -> memref<1024x768xf32, #tpu.memory_space<vmem>>
      %dma_start3A_148 = arith.constant 0 : i32
      %dma_start3A_149 = tpu.memref_slice %arg1[%add3A_141, %dma_start3A_148] : memref<32768x768xf32, #tpu.memory_space<hbm>> -> memref<1024x768xf32, #tpu.memory_space<hbm>>
      tpu.enqueue_dma source(%dma_start3A_149 : memref<1024x768xf32, #tpu.memory_space<hbm>>) target(%dma_start3A_147 : memref<1024x768xf32, #tpu.memory_space<vmem>>) target_semaphore(%dma_start3A_143 : memref<!tpu.dma_semaphore, #tpu.memory_space<semaphore_mem>>)
      %mul3A_150 = arith.constant 4096 : i32
      %mul3A_151 = arith.muli %add3A_119, %mul3A_150 : i32
      %add3A_152 = arith.constant 1024 : i32
      %add3A_153 = arith.addi %mul3A_151, %add3A_152 : i32
      %dma_start3A_154 = arith.constant 1 : i32
      %dma_start3A_155 = tpu.memref_slice %arg6[%select_n3A_137, %dma_start3A_154] : memref<2x4x!tpu.dma_semaphore, #tpu.memory_space<semaphore_mem>> -> memref<1x1x!tpu.dma_semaphore, #tpu.memory_space<semaphore_mem>>
      %dma_start3A_156 = tpu.memref_squeeze %dma_start3A_155 : memref<1x1x!tpu.dma_semaphore, #tpu.memory_space<semaphore_mem>> -> memref<!tpu.dma_semaphore, #tpu.memory_space<semaphore_mem>>
      %dma_start3A_157 = arith.constant 1024 : i32
      %dma_start3A_158 = arith.constant 0 : i32
      %dma_start3A_159 = tpu.memref_slice %arg4[%select_n3A_137, %dma_start3A_157, %dma_start3A_158] : memref<2x4096x768xf32, #tpu.memory_space<vmem>> -> memref<1x1024x768xf32, #tpu.memory_space<vmem>>
      %dma_start3A_160 = tpu.memref_squeeze %dma_start3A_159 : memref<1x1024x768xf32, #tpu.memory_space<vmem>> -> memref<1024x768xf32, #tpu.memory_space<vmem>>
      %dma_start3A_161 = arith.constant 0 : i32
      %dma_start3A_162 = tpu.memref_slice %arg1[%add3A_153, %dma_start3A_161] : memref<32768x768xf32, #tpu.memory_space<hbm>> -> memref<1024x768xf32, #tpu.memory_space<hbm>>
      tpu.enqueue_dma source(%dma_start3A_162 : memref<1024x768xf32, #tpu.memory_space<hbm>>) target(%dma_start3A_160 : memref<1024x768xf32, #tpu.memory_space<vmem>>) target_semaphore(%dma_start3A_156 : memref<!tpu.dma_semaphore, #tpu.memory_space<semaphore_mem>>)
      %mul3A_163 = arith.constant 4096 : i32
      %mul3A_164 = arith.muli %add3A_119, %mul3A_163 : i32
      %add3A_165 = arith.constant 2048 : i32
      %add3A_166 = arith.addi %mul3A_164, %add3A_165 : i32
      %dma_start3A_167 = arith.constant 2 : i32
      %dma_start3A_168 = tpu.memref_slice %arg6[%select_n3A_137, %dma_start3A_167] : memref<2x4x!tpu.dma_semaphore, #tpu.memory_space<semaphore_mem>> -> memref<1x1x!tpu.dma_semaphore, #tpu.memory_space<semaphore_mem>>
      %dma_start3A_169 = tpu.memref_squeeze %dma_start3A_168 : memref<1x1x!tpu.dma_semaphore, #tpu.memory_space<semaphore_mem>> -> memref<!tpu.dma_semaphore, #tpu.memory_space<semaphore_mem>>
      %dma_start3A_170 = arith.constant 2048 : i32
      %dma_start3A_171 = arith.constant 0 : i32
      %dma_start3A_172 = tpu.memref_slice %arg4[%select_n3A_137, %dma_start3A_170, %dma_start3A_171] : memref<2x4096x768xf32, #tpu.memory_space<vmem>> -> memref<1x1024x768xf32, #tpu.memory_space<vmem>>
      %dma_start3A_173 = tpu.memref_squeeze %dma_start3A_172 : memref<1x1024x768xf32, #tpu.memory_space<vmem>> -> memref<1024x768xf32, #tpu.memory_space<vmem>>
      %dma_start3A_174 = arith.constant 0 : i32
      %dma_start3A_175 = tpu.memref_slice %arg1[%add3A_166, %dma_start3A_174] : memref<32768x768xf32, #tpu.memory_space<hbm>> -> memref<1024x768xf32, #tpu.memory_space<hbm>>
      tpu.enqueue_dma source(%dma_start3A_175 : memref<1024x768xf32, #tpu.memory_space<hbm>>) target(%dma_start3A_173 : memref<1024x768xf32, #tpu.memory_space<vmem>>) target_semaphore(%dma_start3A_169 : memref<!tpu.dma_semaphore, #tpu.memory_space<semaphore_mem>>)
      %mul3A_176 = arith.constant 4096 : i32
      %mul3A_177 = arith.muli %add3A_119, %mul3A_176 : i32
      %add3A_178 = arith.constant 3072 : i32
      %add3A_179 = arith.addi %mul3A_177, %add3A_178 : i32
      %dma_start3A_180 = arith.constant 3 : i32
      %dma_start3A_181 = tpu.memref_slice %arg6[%select_n3A_137, %dma_start3A_180] : memref<2x4x!tpu.dma_semaphore, #tpu.memory_space<semaphore_mem>> -> memref<1x1x!tpu.dma_semaphore, #tpu.memory_space<semaphore_mem>>
      %dma_start3A_182 = tpu.memref_squeeze %dma_start3A_181 : memref<1x1x!tpu.dma_semaphore, #tpu.memory_space<semaphore_mem>> -> memref<!tpu.dma_semaphore, #tpu.memory_space<semaphore_mem>>
      %dma_start3A_183 = arith.constant 3072 : i32
      %dma_start3A_184 = arith.constant 0 : i32
      %dma_start3A_185 = tpu.memref_slice %arg4[%select_n3A_137, %dma_start3A_183, %dma_start3A_184] : memref<2x4096x768xf32, #tpu.memory_space<vmem>> -> memref<1x1024x768xf32, #tpu.memory_space<vmem>>
      %dma_start3A_186 = tpu.memref_squeeze %dma_start3A_185 : memref<1x1024x768xf32, #tpu.memory_space<vmem>> -> memref<1024x768xf32, #tpu.memory_space<vmem>>
      %dma_start3A_187 = arith.constant 0 : i32
      %dma_start3A_188 = tpu.memref_slice %arg1[%add3A_179, %dma_start3A_187] : memref<32768x768xf32, #tpu.memory_space<hbm>> -> memref<1024x768xf32, #tpu.memory_space<hbm>>
      tpu.enqueue_dma source(%dma_start3A_188 : memref<1024x768xf32, #tpu.memory_space<hbm>>) target(%dma_start3A_186 : memref<1024x768xf32, #tpu.memory_space<vmem>>) target_semaphore(%dma_start3A_182 : memref<!tpu.dma_semaphore, #tpu.memory_space<semaphore_mem>>)
    } else {
    }
    %jit3A = arith.constant 2 : i32
    %eq3A_7 = arith.constant 0 : i32
    %eq3A_8 = arith.cmpi eq, %jit3A, %eq3A_7 : i32
    %jit3A_9 = arith.constant 1 : i32
    %select_n3A = arith.select %eq3A_8, %jit3A_9, %jit3A : i32
    %rem3A = arith.remsi %arg0, %select_n3A : i32
    %ne3A = arith.constant 0 : i32
    %ne3A_10 = arith.cmpi ne, %rem3A, %ne3A : i32
    %lt3A_11 = arith.constant 0 : i32
    %lt3A_12 = arith.cmpi slt, %rem3A, %lt3A_11 : i32
    %lt3A_13 = arith.constant 0 : i32
    %lt3A_14 = arith.cmpi slt, %select_n3A, %lt3A_13 : i32
    %ne3A_15 = arith.xori %lt3A_12, %lt3A_14 : i1
    %and3A = arith.andi %ne3A_15, %ne3A_10 : i1
    %add3A_16 = arith.addi %rem3A, %select_n3A : i32
    %select_n3A_17 = arith.select %and3A, %add3A_16, %rem3A : i32
    %mul3A = arith.constant 4096 : i32
    %mul3A_18 = arith.muli %arg0, %mul3A : i32
    %add3A_19 = arith.constant 0 : i32
    %add3A_20 = arith.addi %mul3A_18, %add3A_19 : i32
    %dma_wait3A = arith.constant 0 : i32
    %dma_wait3A_21 = tpu.memref_slice %arg6[%select_n3A_17, %dma_wait3A] : memref<2x4x!tpu.dma_semaphore, #tpu.memory_space<semaphore_mem>> -> memref<1x1x!tpu.dma_semaphore, #tpu.memory_space<semaphore_mem>>
    %dma_wait3A_22 = tpu.memref_squeeze %dma_wait3A_21 : memref<1x1x!tpu.dma_semaphore, #tpu.memory_space<semaphore_mem>> -> memref<!tpu.dma_semaphore, #tpu.memory_space<semaphore_mem>>
    %dma_wait3A_23 = arith.constant 0 : i32
    %dma_wait3A_24 = arith.constant 0 : i32
    %dma_wait3A_25 = tpu.memref_slice %arg4[%select_n3A_17, %dma_wait3A_23, %dma_wait3A_24] : memref<2x4096x768xf32, #tpu.memory_space<vmem>> -> memref<1x1024x768xf32, #tpu.memory_space<vmem>>
    %dma_wait3A_26 = tpu.memref_squeeze %dma_wait3A_25 : memref<1x1024x768xf32, #tpu.memory_space<vmem>> -> memref<1024x768xf32, #tpu.memory_space<vmem>>
    %dma_wait3A_27 = arith.constant 0 : i32
    %dma_wait3A_28 = tpu.memref_slice %arg1[%add3A_20, %dma_wait3A_27] : memref<32768x768xf32, #tpu.memory_space<hbm>> -> memref<1024x768xf32, #tpu.memory_space<hbm>>
    tpu.wait_dma2 semaphore(%dma_wait3A_22 : memref<!tpu.dma_semaphore, #tpu.memory_space<semaphore_mem>>) src(%dma_wait3A_28 : memref<1024x768xf32, #tpu.memory_space<hbm>>) dst(%dma_wait3A_26 : memref<1024x768xf32, #tpu.memory_space<vmem>>)
    %mul3A_29 = arith.constant 4096 : i32
    %mul3A_30 = arith.muli %arg0, %mul3A_29 : i32
    %add3A_31 = arith.constant 1024 : i32
    %add3A_32 = arith.addi %mul3A_30, %add3A_31 : i32
    %dma_wait3A_33 = arith.constant 1 : i32
    %dma_wait3A_34 = tpu.memref_slice %arg6[%select_n3A_17, %dma_wait3A_33] : memref<2x4x!tpu.dma_semaphore, #tpu.memory_space<semaphore_mem>> -> memref<1x1x!tpu.dma_semaphore, #tpu.memory_space<semaphore_mem>>
    %dma_wait3A_35 = tpu.memref_squeeze %dma_wait3A_34 : memref<1x1x!tpu.dma_semaphore, #tpu.memory_space<semaphore_mem>> -> memref<!tpu.dma_semaphore, #tpu.memory_space<semaphore_mem>>
    %dma_wait3A_36 = arith.constant 1024 : i32
    %dma_wait3A_37 = arith.constant 0 : i32
    %dma_wait3A_38 = tpu.memref_slice %arg4[%select_n3A_17, %dma_wait3A_36, %dma_wait3A_37] : memref<2x4096x768xf32, #tpu.memory_space<vmem>> -> memref<1x1024x768xf32, #tpu.memory_space<vmem>>
    %dma_wait3A_39 = tpu.memref_squeeze %dma_wait3A_38 : memref<1x1024x768xf32, #tpu.memory_space<vmem>> -> memref<1024x768xf32, #tpu.memory_space<vmem>>
    %dma_wait3A_40 = arith.constant 0 : i32
    %dma_wait3A_41 = tpu.memref_slice %arg1[%add3A_32, %dma_wait3A_40] : memref<32768x768xf32, #tpu.memory_space<hbm>> -> memref<1024x768xf32, #tpu.memory_space<hbm>>
    tpu.wait_dma2 semaphore(%dma_wait3A_35 : memref<!tpu.dma_semaphore, #tpu.memory_space<semaphore_mem>>) src(%dma_wait3A_41 : memref<1024x768xf32, #tpu.memory_space<hbm>>) dst(%dma_wait3A_39 : memref<1024x768xf32, #tpu.memory_space<vmem>>)
    %mul3A_42 = arith.constant 4096 : i32
    %mul3A_43 = arith.muli %arg0, %mul3A_42 : i32
    %add3A_44 = arith.constant 2048 : i32
    %add3A_45 = arith.addi %mul3A_43, %add3A_44 : i32
    %dma_wait3A_46 = arith.constant 2 : i32
    %dma_wait3A_47 = tpu.memref_slice %arg6[%select_n3A_17, %dma_wait3A_46] : memref<2x4x!tpu.dma_semaphore, #tpu.memory_space<semaphore_mem>> -> memref<1x1x!tpu.dma_semaphore, #tpu.memory_space<semaphore_mem>>
    %dma_wait3A_48 = tpu.memref_squeeze %dma_wait3A_47 : memref<1x1x!tpu.dma_semaphore, #tpu.memory_space<semaphore_mem>> -> memref<!tpu.dma_semaphore, #tpu.memory_space<semaphore_mem>>
    %dma_wait3A_49 = arith.constant 2048 : i32
    %dma_wait3A_50 = arith.constant 0 : i32
    %dma_wait3A_51 = tpu.memref_slice %arg4[%select_n3A_17, %dma_wait3A_49, %dma_wait3A_50] : memref<2x4096x768xf32, #tpu.memory_space<vmem>> -> memref<1x1024x768xf32, #tpu.memory_space<vmem>>
    %dma_wait3A_52 = tpu.memref_squeeze %dma_wait3A_51 : memref<1x1024x768xf32, #tpu.memory_space<vmem>> -> memref<1024x768xf32, #tpu.memory_space<vmem>>
    %dma_wait3A_53 = arith.constant 0 : i32
    %dma_wait3A_54 = tpu.memref_slice %arg1[%add3A_45, %dma_wait3A_53] : memref<32768x768xf32, #tpu.memory_space<hbm>> -> memref<1024x768xf32, #tpu.memory_space<hbm>>
    tpu.wait_dma2 semaphore(%dma_wait3A_48 : memref<!tpu.dma_semaphore, #tpu.memory_space<semaphore_mem>>) src(%dma_wait3A_54 : memref<1024x768xf32, #tpu.memory_space<hbm>>) dst(%dma_wait3A_52 : memref<1024x768xf32, #tpu.memory_space<vmem>>)
    %mul3A_55 = arith.constant 4096 : i32
    %mul3A_56 = arith.muli %arg0, %mul3A_55 : i32
    %add3A_57 = arith.constant 3072 : i32
    %add3A_58 = arith.addi %mul3A_56, %add3A_57 : i32
    %dma_wait3A_59 = arith.constant 3 : i32
    %dma_wait3A_60 = tpu.memref_slice %arg6[%select_n3A_17, %dma_wait3A_59] : memref<2x4x!tpu.dma_semaphore, #tpu.memory_space<semaphore_mem>> -> memref<1x1x!tpu.dma_semaphore, #tpu.memory_space<semaphore_mem>>
    %dma_wait3A_61 = tpu.memref_squeeze %dma_wait3A_60 : memref<1x1x!tpu.dma_semaphore, #tpu.memory_space<semaphore_mem>> -> memref<!tpu.dma_semaphore, #tpu.memory_space<semaphore_mem>>
    %dma_wait3A_62 = arith.constant 3072 : i32
    %dma_wait3A_63 = arith.constant 0 : i32
    %dma_wait3A_64 = tpu.memref_slice %arg4[%select_n3A_17, %dma_wait3A_62, %dma_wait3A_63] : memref<2x4096x768xf32, #tpu.memory_space<vmem>> -> memref<1x1024x768xf32, #tpu.memory_space<vmem>>
    %dma_wait3A_65 = tpu.memref_squeeze %dma_wait3A_64 : memref<1x1024x768xf32, #tpu.memory_space<vmem>> -> memref<1024x768xf32, #tpu.memory_space<vmem>>
    %dma_wait3A_66 = arith.constant 0 : i32
    %dma_wait3A_67 = tpu.memref_slice %arg1[%add3A_58, %dma_wait3A_66] : memref<32768x768xf32, #tpu.memory_space<hbm>> -> memref<1024x768xf32, #tpu.memory_space<hbm>>
    tpu.wait_dma2 semaphore(%dma_wait3A_61 : memref<!tpu.dma_semaphore, #tpu.memory_space<semaphore_mem>>) src(%dma_wait3A_67 : memref<1024x768xf32, #tpu.memory_space<hbm>>) dst(%dma_wait3A_65 : memref<1024x768xf32, #tpu.memory_space<vmem>>)
    %jit3A_68 = arith.constant 2 : i32
    %eq3A_69 = arith.constant 0 : i32
    %eq3A_70 = arith.cmpi eq, %jit3A_68, %eq3A_69 : i32
    %jit3A_71 = arith.constant 1 : i32
    %select_n3A_72 = arith.select %eq3A_70, %jit3A_71, %jit3A_68 : i32
    %rem3A_73 = arith.remsi %arg0, %select_n3A_72 : i32
    %ne3A_74 = arith.constant 0 : i32
    %ne3A_75 = arith.cmpi ne, %rem3A_73, %ne3A_74 : i32
    %lt3A_76 = arith.constant 0 : i32
    %lt3A_77 = arith.cmpi slt, %rem3A_73, %lt3A_76 : i32
    %lt3A_78 = arith.constant 0 : i32
    %lt3A_79 = arith.cmpi slt, %select_n3A_72, %lt3A_78 : i32
    %ne3A_80 = arith.xori %lt3A_77, %lt3A_79 : i1
    %and3A_81 = arith.andi %ne3A_80, %ne3A_75 : i1
    %add3A_82 = arith.addi %rem3A_73, %select_n3A_72 : i32
    %select_n3A_83 = arith.select %and3A_81, %add3A_82, %rem3A_73 : i32
    %get3A = arith.index_cast %select_n3A_83 : i32 to index
    %get3A_84 = arith.constant 0 : index
    %get3A_85 = arith.constant 0 : index
    %get3A_86 = vector.load %arg4[%get3A, %get3A_84, %get3A_85] : memref<2x4096x768xf32, #tpu.memory_space<vmem>>, vector<1x4096x768xf32>
    %get3A_87 = vector.shape_cast %get3A_86 : vector<1x4096x768xf32> to vector<4096x768xf32>
    %get3A_88 = arith.constant 0 : index
    %get3A_89 = arith.constant 0 : index
    %get3A_90 = vector.load %arg5[%get3A_88, %get3A_89] : memref<8x768xf32, #tpu.memory_space<vmem>>, vector<8x768xf32>
    %dot_general3A = arith.constant dense<0.000000e+00> : vector<8x4096xf32>
    %dot_general3A_91 = tpu.matmul %get3A_90, %get3A_87, %dot_general3A {dimension_numbers = #tpu.dot_dimension_numbers<[1], [1], [0], [0], [0, 0, 1, 0], [], []>, transpose_lhs_hint = false} : vector<8x768xf32>, vector<4096x768xf32>, vector<8x4096xf32> -> vector<8x4096xf32>
    %abs3A = math.absf %dot_general3A_91 : vector<8x4096xf32>
    %iota3A = tpu.iota {dimensions = array<i32: 0>} : vector<8x4096xi32>
    %reduce_max3A = arith.constant dense<0xFF800000> : vector<4096xf32>
    %reduce_max3A_92 = vector.multi_reduction <maximumf>, %abs3A, %reduce_max3A [0] : vector<8x4096xf32> to vector<4096xf32>
    %broadcast_in_dim3A = vector.shape_cast %reduce_max3A_92 : vector<4096xf32> to vector<1x4096xf32>
    %eq3A_93 = vector.broadcast %broadcast_in_dim3A : vector<1x4096xf32> to vector<8x4096xf32>
    %eq3A_94 = arith.cmpf oeq, %abs3A, %eq3A_93 : vector<8x4096xf32>
    %jit3A_95 = arith.constant 8 : i32
    %broadcast_in_dim3A_96 = vector.broadcast %jit3A_95 : i32 to vector<8x4096xi32>
    %select_n3A_97 = arith.select %eq3A_94, %iota3A, %broadcast_in_dim3A_96 : vector<8x4096xi1>, vector<8x4096xi32>
    %reduce_min3A = arith.constant dense<2147483647> : vector<4096xi32>
    %reduce_min3A_98 = vector.multi_reduction <minsi>, %select_n3A_97, %reduce_min3A [0] : vector<8x4096xi32> to vector<4096xi32>
    %broadcast_in_dim3A_99 = vector.shape_cast %reduce_min3A_98 : vector<4096xi32> to vector<1x4096xi32>
    %eq3A_100 = vector.broadcast %broadcast_in_dim3A_99 : vector<1x4096xi32> to vector<8x4096xi32>
    %eq3A_101 = arith.cmpi eq, %iota3A, %eq3A_100 : vector<8x4096xi32>
    %jit3A_102 = arith.constant -1.000000e+00 : f32
    %broadcast_in_dim3A_103 = vector.broadcast %jit3A_102 : f32 to vector<8x4096xf32>
    %select_n3A_104 = arith.select %eq3A_101, %broadcast_in_dim3A_103, %abs3A : vector<8x4096xi1>, vector<8x4096xf32>
    %reduce_max3A_105 = arith.constant dense<0xFF800000> : vector<4096xf32>
    %reduce_max3A_106 = vector.multi_reduction <maximumf>, %select_n3A_104, %reduce_max3A_105 [0] : vector<8x4096xf32> to vector<4096xf32>
    %broadcast_in_dim3A_107 = vector.shape_cast %reduce_max3A_106 : vector<4096xf32> to vector<1x4096xf32>
    %eq3A_108 = vector.broadcast %broadcast_in_dim3A_107 : vector<1x4096xf32> to vector<8x4096xf32>
    %eq3A_109 = arith.cmpf oeq, %select_n3A_104, %eq3A_108 : vector<8x4096xf32>
    %jit3A_110 = arith.constant 8 : i32
    %broadcast_in_dim3A_111 = vector.broadcast %jit3A_110 : i32 to vector<8x4096xi32>
    %select_n3A_112 = arith.select %eq3A_109, %iota3A, %broadcast_in_dim3A_111 : vector<8x4096xi1>, vector<8x4096xi32>
    %reduce_min3A_113 = arith.constant dense<2147483647> : vector<4096xi32>
    %reduce_min3A_114 = vector.multi_reduction <minsi>, %select_n3A_112, %reduce_min3A_113 [0] : vector<8x4096xi32> to vector<4096xi32>
    %broadcast_in_dim3A_115 = vector.shape_cast %reduce_min3A_114 : vector<4096xi32> to vector<1x4096xi32>
    %concatenate3A = tpu.concatenate %broadcast_in_dim3A_99, %broadcast_in_dim3A_115 in 0 : vector<1x4096xi32>, vector<1x4096xi32> -> vector<2x4096xi32>
    %swap3A = arith.constant 0 : index
    %swap3A_116 = arith.constant 0 : index
    %swap3A_117 = vector.load %arg3[%swap3A, %swap3A_116] : memref<2x4096xi32, #tpu.memory_space<vmem>>, vector<2x4096xi32>
    tpu.vector_store %arg3[%swap3A, %swap3A_116], %concatenate3A {strides = array<i32>} : memref<2x4096xi32, #tpu.memory_space<vmem>>, vector<2x4096xi32>,
    return
  }
  func.func @transform_2(%arg0: i32) -> (i32, i32) {
    %c0_i32 = arith.constant 0 : i32
    %c0_i32_0 = arith.constant 0 : i32
    return %c0_i32, %arg0 : i32, i32
  }
}

</mosaic_0001>

<sc_bundles>
// kernel: kernel.4.cloned.1.call-start
scs
__scs_entry_jumppad:
0x0: {  	(pc) =	sbr.rel $0x88, $3  }
0x1: {  	(tag) =	ssettag $0x0;
	lr =	simm.s32 $0x1  }
0x2: {  	[smem:$0x3F9F] =	sst lr;
	_ =	strace $0xD0000000  }
0x3: {  	_ = 	snop  }
0x4: {  	_ = 	snop  }
0x5: {  	_ = 	snop  }
0x6: {  	_ = 	snop  }
0x7: {  	_ = 	snop  }
__scs_overlays_trampoline_lowered:
0x8: {  	[smem:$0x3FAE] =	sst s0  }
0x9: {  	[smem:$0x3FAF] =	sst s1  }
0xa: {  	[smem:$0x3FB0] =	sst s2  }
0xb: {  	[smem:$0x3FB1] =	sst s3  }
0xc: {  	[smem:$0x3FB2] =	sst s4  }
0xd: {  	[smem:$0x3FB3] =	sst s5  }
0xe: {  	[smem:$0x3FB4] =	sst s6  }
0xf: {  	[smem:$0x3FB5] =	sst s7  }
0x10: {  	[smem:$0x3FB6] =	sst s8  }
0x11: {  	[smem:$0x3FB7] =	sst s9;
	s0 =	simm.s32 @!p0 $0x0  }
0x12: {  	s1 =	sld [smem:$0x3F9D];
	s0 =	simm.s32 @p0 $0x1  }
0x13: {  	[smem:$0x3FB8] =	sst s0;
	s0 =	simm.s32 @!p1 $0x0  }
0x14: {  	s2 =	sld [smem:$0x3F9C];
	s0 =	simm.s32 @p1 $0x1  }
0x15: {  	[smem:$0x3FB9] =	sst s0;
	s0 =	simm.s32 @!p2 $0x0  }
0x16: {  	s3 =	sld [smem:$0x3FDB];
	s0 =	simm.s32 @p2 $0x1  }
0x17: {  	s4 =	simm.s32 $0x1BF5;
	[smem:$0x3FBB] =	sst s0  }
0x18: {  	s0 =	sld [smem:$0x3F9E];
	_ =	swait.ge [sflag:s4], $0x0  }
0x19: {  	s7 =	sld [smem:$0x3F9F]  }
0x1a: {  	s8 =	sadd.s32 $0xFFFFE003, lr  }
0x1b: {  	s9 =	sadd.s32 $0xFFFFFEF7, lr;
	s5 =	simm.s32 $0xFFFFFFFF;
	p2 =	slt.u32 s8, $0xFFFFF086  }
0x1c: {  	p1 =	slt.u32 s9, $0xF7A;
	s5 =	simm.s32 @!p2 $0x0  }
0x1d: {  	s5 =	simm.s32 @p1 $0x1;
	p0 =	seq.s32 s7, s2  }
0x1e: {  	s7 =	smul.u32 @!p0 $0xF7A, s2;
	p2 =	seq.s32 @!p0 s5, $0x0  }
0x1f: {  	s9 =	smul.u32 $0xF7A, s1;
	s8 =	simm.s32 @!p0 $0x1BF5;
	p2 =	por !p2, p0  }
0x20: {  	[sflag:s8] =	ssyncset.s32 @!p0 $0xFFFFF086;
	s6 =	sadd.s32 @!p0 s3, s7;
	s7 =	simm.s32 @!p0 $0x108  }
0x21: {  	s3 =	sadd.s32 s3, s9;
	s6 =	sadd.s32 @!p0 $0x88, s6;
	s7 =	simm.s32 @p2 $0x1082  }
0x22: {  	[simem:s7], [sflag:s8] =	dma.local @!p0 [hbm:s6], $0xF7A  }
0x23: {  	s9 =	sor.u32 $0xD0000000, s2;
	s6 =	simm.s32 $0x108;
	_ =	swait.ge @!p0 [sflag:s8], $0x0  }
0x24: {  	s3 =	sadd.s32 $0x88, s3;
	s6 =	simm.s32 @!p1 $0x1082;
	[sflag:s4] =	ssyncset.s32 $0xFFFFF086  }
0x25: {  	[simem:s6], [sflag:s4] =	dma.local [hbm:s3], $0xF7A  }
0x26: {  	[smem:$0x3F9F] =	sst s1;
	(tag) =	ssettag s2;
	_ =	strace s9  }
0x27: {  	s1 =	sld [smem:$0x3FAF]  }
0x28: {  	s2 =	sld [smem:$0x3FB0]  }
0x29: {  	s4 =	sld [smem:$0x3FB2]  }
0x2a: {  	p0 =	seq.s32 s5, $0x0;
	s5 =	sld [smem:$0x3FB3]  }
0x2b: {  	s6 =	sld [smem:$0x3FB4]  }
0x2c: {  	s7 =	sld [smem:$0x3FB5]  }
0x2d: {  	s3 =	simm.s32 $0x108;
	s8 =	sld [smem:$0x3FB6]  }
0x2e: {  	s3 =	simm.s32 @!p0 $0x1082;
	s9 =	sld [smem:$0x3FB7]  }
0x2f: {  	lr =	sadd.s32 s0, s3;
	s0 =	sld [smem:$0x3FAE]  }
0x30: {  	s3 =	sld [smem:$0x3FB1]  }
0x31: {  	[smem:$0x3FBA] =	sst s10  }
0x32: {  	s10 =	sld [smem:$0x3FB8];
	_ =	sdelay $0x3  }
0x33: {  	p0 =	seq.s32 s10, $0x1;
	s10 =	sld [smem:$0x3FBA];
	_ =	sdelay $0x3  }
0x34: {  	[smem:$0x3FBA] =	sst s10  }
0x35: {  	s10 =	sld [smem:$0x3FB9];
	_ =	sdelay $0x3  }
0x36: {  	p1 =	seq.s32 s10, $0x1;
	s10 =	sld [smem:$0x3FBA];
	_ =	sdelay $0x3  }
0x37: {  	[smem:$0x3FBA] =	sst s10  }
0x38: {  	s10 =	sld [smem:$0x3FBB]  }
0x39: {  	_ = 	snop;
	(pc) =	sbr.ind lr, $3  }
0x3a: {  	_ = 	snop  }
0x3b: {  	_ = 	snop  }
0x3c: {  	p2 =	seq.s32 s10, $0x1;
	s10 =	sld [smem:$0x3FBA]  }
0x3d: {  	_ =	shalt  }
0x3e: {  	_ =	shalt  }
0x3f: {  	_ =	shalt  }
0x40: {  	_ =	shalt  }
0x41: {  	_ =	shalt  }
0x42: {  	_ =	shalt  }
0x43: {  	_ =	shalt  }
0x44: {  	_ =	shalt  }
0x45: {  	_ =	shalt  }
0x46: {  	_ =	shalt  }
0x47: {  	_ =	shalt  }
0x48: {  	_ =	shalt  }
0x49: {  	_ =	shalt  }
0x4a: {  	_ =	shalt  }
0x4b: {  	_ =	shalt  }
0x4c: {  	_ =	shalt  }
0x4d: {  	_ =	shalt  }
0x4e: {  	_ =	shalt  }
0x4f: {  	_ =	shalt  }
0x50: {  	_ =	shalt  }
0x51: {  	_ =	shalt  }
0x52: {  	_ =	shalt  }
0x53: {  	_ =	shalt  }
0x54: {  	_ =	shalt  }
0x55: {  	_ =	shalt  }
0x56: {  	_ =	shalt  }
0x57: {  	_ =	shalt  }
0x58: {  	_ =	shalt  }
0x59: {  	_ =	shalt  }
0x5a: {  	_ =	shalt  }
0x5b: {  	_ =	shalt  }
0x5c: {  	_ =	shalt  }
0x5d: {  	_ =	shalt  }
0x5e: {  	_ =	shalt  }
0x5f: {  	_ =	shalt  }
0x60: {  	_ =	shalt  }
0x61: {  	_ =	shalt  }
0x62: {  	_ =	shalt  }
0x63: {  	_ =	shalt  }
0x64: {  	_ =	shalt  }
0x65: {  	_ =	shalt  }
0x66: {  	_ =	shalt  }
0x67: {  	_ =	shalt  }
0x68: {  	_ =	shalt  }
0x69: {  	_ =	shalt  }
0x6a: {  	_ =	shalt  }
0x6b: {  	_ =	shalt  }
0x6c: {  	_ =	shalt  }
0x6d: {  	_ =	shalt  }
0x6e: {  	_ =	shalt  }
0x6f: {  	_ =	shalt  }
0x70: {  	_ =	shalt  }
0x71: {  	_ =	shalt  }
0x72: {  	_ =	shalt  }
0x73: {  	_ =	shalt  }
0x74: {  	_ =	shalt  }
0x75: {  	_ =	shalt  }
0x76: {  	_ =	shalt  }
0x77: {  	_ =	shalt  }
0x78: {  	_ =	shalt  }
0x79: {  	_ =	shalt  }
0x7a: {  	_ =	shalt  }
0x7b: {  	_ =	shalt  }
0x7c: {  	_ =	shalt  }
0x7d: {  	_ =	shalt  }
0x7e: {  	_ =	shalt  }
0x7f: {  	_ =	shalt  }
0x80: {  	_ =	shalt  }
0x81: {  	_ =	shalt  }
0x82: {  	_ =	shalt  }
0x83: {  	_ =	shalt  }
0x84: {  	_ =	shalt  }
0x85: {  	_ =	shalt  }
0x86: {  	_ =	shalt  }
0x87: {  	_ =	shalt  }
.Lfunc_end0:
.L_simem_size_0:
called_computation_lowered:
.L_overlay_start_0:
0x88: {  	s2 =	sld [smem:$0x3FD9]  }
0x89: {  	s3 =	sld [smem:$0x3FFE];
	_ =	sdelay $0x1  }
0x8a: {  	s1 =	srdreg.scid  }
0x8b: {  	s0 =	sand.u32 $0x1, s1  }
0x8c: {  	s16 =	sshll.u32 s0, $0xA;
	s2 =	sadd.s32 s3, s2  }
0x8d: {  	s2 =	sadd.s32 s2, s16  }
0x8e: {  	[smem:$0x3FC6] =	sst s2  }
0x8f: {  	_ = 	snop  }
0x90: {  	(tm) =	ssettm $0x1  }
0x91: {  	s17 =	sld [smem:$0x3FFB];
	_ =	sdelay $0x3  }
0x92: {  	_ =	strace s17  }
0x93: {  	s2 =	sld [smem:$0x3FFC];
	_ =	sdelay $0x3  }
0x94: {  	_ =	strace s2  }
0x95: {  	s2 =	sld [smem:$0x3FFD];
	_ =	sdelay $0x3  }
0x96: {  	_ =	strace s2  }
0x97: {  	_ =	strace $0x8FFFFFFF  }
0x98: {  	s18 =	sld [smem:$0x3FDB];
	_ =	sdelay $0x1  }
0x99: {  	s19 =	simm.s32 $_scs_section_size  }
0x9a: {  	s4 =	simm.s32 $_size__tile_overlayer_lowered;
	s5 =	simm.s32 $_tile_overlayer_lowered  }
0x9b: {  	s22 =	simm.s32 $0x1BFF;
	s21 =	sshll.u32 s5, $0x1;
	s2 =	sadd.s32 s19, s18  }
0x9c: {  	s6 =	simm.s32 $0x0;
	s20 =	sshll.u32 s4, $0x1;
	s4 =	sadd.s32 s21, s2  }
0x9d: {  	[timem:s6], [sflag:s22] =	dma.local [hbm:s4], s20  }
0x9e: {  	_ =	swait.ge [sflag:s22], s20  }
0x9f: {  	s3 =	ssub.s32 $0x0, s20;
	[sflag:s22] =	ssyncset.done $0x0  }
0xa0: {  	[sflag:s22] =	ssyncadd.s32 s3;
	_ =	sdelay $0x1  }
0xa1: {  	s23 =	simm.s32 $0x1B8B  }
0xa2: {  	_ =	swait.ge [sflag:s23], $0x1  }
0xa3: {  	[sflag:s23] =	ssyncset.done $0x0  }
0xa4: {  	s25 =	simm.s32 $0x1B8E;
	s24 =	sld [smem:$0x3FFE];
	[sflag:s23] =	ssyncadd.s32 $0xFFFFFFFF  }
0xa5: {  	s26 =	simm.s32 $execute0_lowered;
	[smem:$0x3FD2] =	sst s25  }
0xa6: {  	s4 =	sshll.u32 s26, $0x1;
	_ =	strace $0x80000046;
	[dreg:$0x1] =	wrdreg $0xFFFFFFFF  }
0xa7: {  	s28 =	simm.s32 $_size_execute0_lowered;
	s2 =	sadd.s32 s2, s4;
	[dreg:$0x0] =	wrdreg $0x0  }
0xa8: {  	s4 =	sshll.u32 s28, $0x1;
	[dreg:$0x2] =	wrdreg s2  }
0xa9: {  	[dreg:$0x3] =	wrdreg s4  }
0xaa: {  	[dreg:$0x4] =	wrdreg $0xC0  }
0xab: {  	_ =	task [dreg:s6], $0x5FFFF  }
0xac: {  	[dreg:$0x1] =	wrdreg $0xFFFFFFFF  }
0xad: {  	[dreg:$0x0] =	wrdreg $0x60  }
0xae: {  	[dreg:$0x2] =	wrdreg s24  }
0xaf: {  	[dreg:$0x3] =	wrdreg $0x9  }
0xb0: {  	_ =	task.clear_ibuf [dreg:s6], $0x4FFFF;
	_ =	strace $0x90000046  }
0xb1: {  	s29 =	simm.s32 $0x9;
	_ =	strace $0x80000048  }
0xb2: {  	_ =	swait.ge [sflag:s29], $0x1  }
0xb3: {  	[sflag:s29] =	ssyncadd.s32 $0xFFFFFFFF  }
0xb4: {  	_ =	strace $0x90000048  }
0xb5: {  	_ =	sfence  }
0xb6: {  	s30 =	sld [smem:$0x0];
	_ =	sdelay $0x2  }
0xb7: {  	s31 =	sshll.u32 s1, $0xD;
	s1 =	sshrl.u32 s1, $0x2  }
0xb8: {  	s3 =	sand.u32 $0x4000, s31;
	s1 =	sadd.s32 s1, s30  }
0xb9: {  	s0 =	sor.u32 s3, s0;
	s1 =	sshll.u32 s1, $0x11  }
0xba: {  	s0 =	sor.u32 s1, s0  }
0xbb: {  	s0 =	sadd.s32 $0x8F2B, s0  }
0xbc: {  	[sflag:s0] =	ssyncadd.remote.s32 $0x1  }
0xbd: {  	_ =	sfence.sel $0xFFFF  }
0xbe: {  	[dreg:$0x0] =	wrdreg $0xFFFFFFFF;
	(pc) =	sbr.abs _section_cstart, $3  }
0xbf: {  	[dreg:$0x1] =	wrdreg $0xFFFFFFFF  }
0xc0: {  	_ =	task.clear_ibuf [dreg:s6], $0x2FFFF;
	_ =	strace $0x9FFFFFFF  }
0xc1: {  	(tm) =	ssettm $0x7FFFFFFF  }
tec
execute0_lowered:
.L_overlay_start_1:
0x0: {  	(tag) =	ssettag $0x1  }
0x1: {  	s1 =	srdreg.scid  }
0x2: {  	s0 =	stileid.u32;
	s3 =	sand.u32 $0x1, s1  }
0x3: {  	s2 =	sshll.u32 s0, $0x4;
	s1 =	sshll.u32 s3, $0x8  }
0x4: {  	s4 =	rddreg [dreg:$0x0];
	s5 =	sor.u32 s2, s1  }
0x5: {  	s6 =	ssub.s32 $0x2, s3;
	s3 =	simm.s32 $0x1;
	s5 =	smul.u32 $0x300, s5  }
0x6: {  	s1 =	rddreg [dreg:$0x1];
	s2 =	simm.s32 $0x0;
	s7 =	sshrl.u32 s6, $0x1  }
0x7: {  	[smem:$0x7FF] =	sst s2;
	s6 =	ssub.s32 s6, s7;
	s5 =	sadd.s32 s5, s4  }
0x8: {  	_ =	strace $0x80000047;
	s6 =	smax.u32 s6, $0x1;
	s4 =	sadd.s32 $0x600, s5  }
0x9: {  	[tilespmem:s2], [sflag:$0x1] =	stream.linear.gather [hbm4b:s4+s2], $0x18000, $0x38;
	[tilespmem:$0x18000] =	vst v63  }
0xa: {  	p0 =	sne.s32 s6, $0x1;
	_ =	swait.ge [sflag:s3], $0x18000  }
.Ltmp0:
0xb: {  	[sflag:s3] =	ssyncset.done $0x0;
	(pc) =	sbr.rel @!p0 .LBB2_2-.Ltmp0, $4  }
0xc: {  	s5 =	sadd.s32 $0x60600, s5;
	[sflag:s3] =	ssyncadd.s32 $0xFFFE8000  }
0xd: {  	[hbm4b:s5+s2] =	stream.linear.scatter [tilespmem:s2], [sflag:$0x1], $0x18000, $0x38;
	[tilespmem:$0x18000] =	vst v63  }
0xe: {  	_ =	swait.ge [sflag:s3], $0x18000  }
0xf: {  	s6 =	sadd.s32 $0xFFFFFFFF, s6;
	[sflag:s3] =	ssyncset.done $0x0  }
.LBB2_1:
0x10: {  	p0 =	sne.s32 s6, $0x1;
	s6 =	sadd.s32 $0xFFFFFFFF, s6;
	[sflag:s3] =	ssyncadd.s32 $0xFFFE8000  }
0x11: {  	[tilespmem:s2], [sflag:$0x1] =	stream.linear.gather [hbm4b:s4+s2], $0x18000, $0x38;
	[tilespmem:$0x18000] =	vst v63  }
0x12: {  	_ =	swait.ge [sflag:s3], $0x18000  }
.Ltmp1:
0x13: {  	[sflag:s3] =	ssyncset.done $0x0;
	(pc) =	sbr.rel @p0 .LBB2_1-.Ltmp1, $4  }
0x14: {  	[sflag:s3] =	ssyncadd.s32 $0xFFFE8000  }
0x15: {  	[hbm4b:s5+s2] =	stream.linear.scatter [tilespmem:s2], [sflag:$0x1], $0x18000, $0x38;
	[tilespmem:$0x18000] =	vst v63  }
0x16: {  	_ =	swait.ge [sflag:s3], $0x18000  }
0x17: {  	[sflag:s3] =	ssyncset.done $0x0  }
.LBB2_2:
0x18: {  	[sflag:s3] =	ssyncadd.s32 $0xFFFE8000  }
0x19: {  	_ =	sfence.sel $0x180000  }
0x1a: {  	[bflag:$0x0] =	sbarrier.arrive $0xFFFF  }
0x1b: {  	p0 =	sne.s32 s0, $0x0;
	_ =	strace $0x90000047  }
0x1c: {  	s0 =	sadd.s32 @!p0 $0x100000, s1;
	[bflag:$0x2] =	sbarrier.arrive $0xFFFF  }
0x1d: {  	[sflag:s0] =	ssyncadd.tile.s32 @!p0 $0x1;
	_ =	shalt  }
.Lfunc_end2:
_tile_overlayer_lowered:
.L_overlay_start_2:
0x1e: {  	(tag) =	ssettag $0x2  }
0x1f: {  	s0 =	rddreg [dreg:$0x0];
	s2 =	stileid.u32  }
0x20: {  	s1 =	rddreg [dreg:$0x1];
	p0 =	sne.s32 s2, $0x0  }
0x21: {  	s3 =	rddreg [dreg:$0x2];
	[bflag:$0x3] =	sbarrier.arrive $0xFFFF;
	s2 =	simm.s32 @!p0 $0x1C02  }
0x22: {  	[timem:s3], [sflag:s2] =	dma.local @!p0 [hbm:s0], s1  }
0x23: {  	s0 =	simm.s32 @!p0 $0x2  }
0x24: {  	_ =	swait.ge @!p0 [sflag:s0], s1  }
0x25: {  	s1 =	ssub.s32 @!p0 $0x0, s1;
	[sflag:s0] =	ssyncset.done @!p0 $0x0  }
0x26: {  	[sflag:s0] =	ssyncadd.s32 @!p0 s1  }
0x27: {  	[bflag:$0x3] =	sbarrier.arrive $0xFFFF  }
0x28: {  	_ =	shalt  }

</sc_bundles>
